<compile_context>
chip_gen: v7x
topology: tpu7x:2x2x1
jax: 0.10.2.dev20260603
libtpu: 0.0.44.dev20260713+nightly
codegen_flags: <defaults>
</compile_context>

<pallas_src>
import functools

import jax
import jax.numpy as jnp
import numpy as np
from jax.experimental import pallas as pl
from jax.experimental.pallas import tpu as pltpu

B = 4
N = 4096
IN_FEATURES = 3
NUM_CLASSES = 16
NUM_PARTS = 16
SA_CFG = (
    (1024, (0.1, 0.2), (16, 32), ((16, 16, 32), (32, 32, 64))),
    (256, (0.2, 0.4), (16, 32), ((64, 64, 128), (64, 96, 128))),
    (64, (0.4, 0.8), (16, 32), ((128, 196, 256), (128, 196, 256))),
    (16, (0.8, 1.6), (16, 32), ((256, 256, 512), (256, 384, 512))),
)
FP_DIMS = ((512, 512), (512, 512), (256, 256), (128, 128))


def _conv(x, L):
    y = jnp.einsum('oc,bc...->bo...', L["W"], x)
    return y + L["b"].reshape((1, -1) + (1,) * (y.ndim - 2))


def _bn(x, L):
    axes = (0,) + tuple(range(2, x.ndim))
    mean = jnp.mean(x, axis=axes, keepdims=True)
    var = jnp.var(x, axis=axes, keepdims=True)
    sh = (1, -1) + (1,) * (x.ndim - 2)
    return (x - mean) / jnp.sqrt(var + 1e-5) * L["g"].reshape(sh) + L["be"].reshape(sh)


def _mlp(x, layers):
    for L in layers:
        x = jax.nn.relu(_bn(_conv(x, L), L))
    return x


def _fps_body(m, n, xT_ref, nx_ref):
    xT = xT_ref[0]
    lane_n = jax.lax.broadcasted_iota(jnp.int32, (1, n), 1)
    lane_m = jax.lax.broadcasted_iota(jnp.int32, (1, m), 1)

    def step(i, carry):
        dist, last, nx = carry
        lx = jnp.sum(jnp.where(lane_n == last, xT, 0.0), axis=1, keepdims=True)
        nx = jnp.where(lane_m == i, lx, nx)
        d = jnp.sum((xT - lx) ** 2, axis=0, keepdims=True)
        dist = jnp.minimum(dist, d)
        nxt = jnp.argmax(dist, axis=1, keepdims=True).astype(jnp.int32)
        return dist, nxt, nx

    init = (jnp.full((1, n), 1e10, jnp.float32), jnp.zeros((1, 1), jnp.int32),
            jnp.zeros((3, m), jnp.float32))
    _, _, nx = jax.lax.fori_loop(0, m, step, init)
    nx_ref[0] = nx


def _fps_new_xyz(xyz, m, interpret=False):
    b, n, _ = xyz.shape
    xT = jnp.transpose(xyz, (0, 2, 1))
    import functools
    nxT = pl.pallas_call(
        functools.partial(_fps_body, m, n),
        grid=(b,),
        in_specs=[pl.BlockSpec((1, 3, n), lambda i: (i, 0, 0))],
        out_specs=pl.BlockSpec((1, 3, m), lambda i: (i, 0, 0)),
        out_shape=jax.ShapeDtypeStruct((b, 3, m), jnp.float32),
        interpret=interpret,
    )(xT)
    return jnp.transpose(nxT, (0, 2, 1))


def _gather_pts(p, idx):
    return jax.vmap(lambda pp, ii: pp[ii])(p, idx)


def _gather_feats(f, idx):
    return jax.vmap(lambda ff, ii: ff[:, ii])(f, idx)


def _bq_body(s, n, mb, mi_ref, idx_ref):
    mi = mi_ref[0]
    mask = mi > 0
    cum = mi
    k = 1
    while k < n:
        shifted = jnp.concatenate(
            [jnp.zeros((mb, k), jnp.int32), cum[:, : n - k]], axis=1)
        cum = cum + shifted
        k *= 2
    cnt = cum[:, n - 1 : n]
    lane_n = jax.lax.broadcasted_iota(jnp.int32, (1, n), 1)
    lane_s = jax.lax.broadcasted_iota(jnp.int32, (1, s), 1)
    buf = jnp.zeros((mb, s), jnp.int32)
    idx0 = jnp.zeros((mb, 1), jnp.int32)
    for t in range(s):
        sel = jnp.logical_and(mask, cum == t + 1)
        it = jnp.sum(jnp.where(sel, lane_n, 0), axis=1, keepdims=True)
        if t == 0:
            idx0 = it
            chosen = it
        else:
            chosen = jnp.where(cnt > t, it, idx0)
        buf = jnp.where(lane_s == t, chosen, buf)
    idx_ref[0] = buf


def _ball_query(xyz, new_xyz, radius, nsample, interpret=False):
    b, n, _ = xyz.shape
    m = new_xyz.shape[1]
    mb = min(m, 256)
    d2 = jnp.sum((new_xyz[:, :, None, :] - xyz[:, None, :, :]) ** 2, axis=-1)
    mi = (d2 <= radius * radius).astype(jnp.int32)
    idx = pl.pallas_call(
        functools.partial(_bq_body, nsample, n, mb),
        grid=(b, m // mb),
        in_specs=[
            pl.BlockSpec((1, mb, n), lambda bi, i: (bi, i, 0)),
        ],
        out_specs=pl.BlockSpec((1, mb, nsample), lambda bi, i: (bi, i, 0)),
        out_shape=jax.ShapeDtypeStruct((b, m, nsample), jnp.int32),
        interpret=interpret,
    )(mi)
    return idx


def _set_abstraction(xyz, feats, m, radii, nsamples, scales):
    new_xyz = _fps_new_xyz(xyz, m)
    outs = []
    for r, s, mlp in zip(radii, nsamples, scales):
        idx = _ball_query(xyz, new_xyz, r, s)
        gx = _gather_pts(xyz, idx) - new_xyz[:, :, None, :]
        h = jnp.transpose(gx, (0, 3, 1, 2))
        if feats is not None:
            h = jnp.concatenate([h, _gather_feats(feats, idx)], axis=1)
        h = _mlp(h, mlp)
        outs.append(jnp.max(h, axis=-1))
    return new_xyz, jnp.concatenate(outs, axis=1)


def _nn3_body(n, k, d2_ref, idx_ref, w_ref):
    d2 = d2_ref[0]
    lane_k = jax.lax.broadcasted_iota(jnp.int32, (1, k), 1)
    lane_3 = jax.lax.broadcasted_iota(jnp.int32, (1, 3), 1)
    ibuf = jnp.zeros((n, 3), jnp.int32)
    wraw = []
    for t in range(3):
        a = jnp.argmin(d2, axis=1, keepdims=True).astype(jnp.int32)
        v = jnp.min(d2, axis=1, keepdims=True)
        ibuf = jnp.where(lane_3 == t, a, ibuf)
        wraw.append(1.0 / (jnp.maximum(v, 0.0) + 1e-8))
        d2 = jnp.where(lane_k == a, jnp.float32(jnp.inf), d2)
    wsum = (wraw[0] + wraw[1]) + wraw[2]
    wbuf = jnp.where(lane_3 == 0, wraw[0] / wsum,
                     jnp.where(lane_3 == 1, wraw[1] / wsum, wraw[2] / wsum))
    idx_ref[0] = ibuf
    w_ref[0] = wbuf * jnp.ones((n, 3), jnp.float32)


def _nn3(ux, kx, interpret=False):
    b, n, _ = ux.shape
    k = kx.shape[1]
    d2 = jnp.sum((ux[:, :, None, :] - kx[:, None, :, :]) ** 2, axis=-1)
    nb = min(n, 512)
    idx, w = pl.pallas_call(
        functools.partial(_nn3_body, nb, k),
        grid=(b, n // nb),
        in_specs=[
            pl.BlockSpec((1, nb, k), lambda bi, i: (bi, i, 0)),
        ],
        out_specs=[
            pl.BlockSpec((1, nb, 3), lambda bi, i: (bi, i, 0)),
            pl.BlockSpec((1, nb, 3), lambda bi, i: (bi, i, 0)),
        ],
        out_shape=[
            jax.ShapeDtypeStruct((b, n, 3), jnp.int32),
            jax.ShapeDtypeStruct((b, n, 3), jnp.float32),
        ],
        interpret=interpret,
    )(d2)
    return idx, w


def _feature_prop(ux, kx, uf, kf, mlp):
    idx, w = _nn3(ux, kx)
    interp = jnp.sum(_gather_feats(kf, idx) * w[:, None, :, :], axis=-1)
    h = jnp.concatenate([interp, uf], axis=1) if uf is not None else interp
    return _mlp(h, mlp)


def _identity_kernel(x_ref, o_ref):
    o_ref[...] = x_ref[...]


def _pallas_identity(x):
    return pl.pallas_call(
        _identity_kernel,
        out_shape=jax.ShapeDtypeStruct(x.shape, x.dtype),
    )(x)


def kernel(points, params):
    bb, nn = points.shape[0], points.shape[1]
    xyz = points[..., :3]
    feats = jnp.transpose(points[..., 3:], (0, 2, 1)) if points.shape[-1] > 3 else None
    xyz_list, feat_list = [xyz], [feats]
    cx, cf = xyz, feats
    for (m, radii, ns, _), scales in zip(SA_CFG, params["sa"]):
        cx, cf = _set_abstraction(cx, cf, m, radii, ns, scales)
        xyz_list.append(cx)
        feat_list.append(cf)
    t = -2
    for mlp in params["fp"]:
        feat_list[t] = _feature_prop(xyz_list[t], xyz_list[t + 1], feat_list[t], feat_list[t + 1], mlp)
        t -= 1
    f0 = feat_list[0]
    fl1, fl2 = params["final"]
    h = jax.nn.relu(_bn(_conv(f0, fl1), fl1))
    parts = _conv(h, fl2)
    parts_sm = jax.nn.softmax(parts, axis=1)
    pp1, ppg = params["part"]
    h2 = jax.nn.relu(_conv(f0, pp1))
    h2 = h2.reshape(bb, NUM_PARTS, 128, nn)
    pred = jnp.einsum('pgc,bpcn->bpgn', ppg["W"], h2) + ppg["b"][None, :, :, None]
    pred = pred.reshape(bb, NUM_PARTS * NUM_CLASSES, nn)
    weighted = (pred.reshape(bb, NUM_CLASSES, NUM_PARTS, nn) * parts_sm[:, None, :, :]).sum(axis=2)
    out = jnp.concatenate([parts, weighted], axis=1)
    return _pallas_identity(out)

# --- scband reference (transcript-rebuilt; emitter-appended) ---
"""Pipeline reference for scband-point-net2-part-5583457484872 (READ-ONLY COPY).

The authoritative reference and input builder live on the scoring server;
editing this copy changes nothing except your own understanding.
"""

import jax
import jax.numpy as jnp
import numpy as np

B = 4
N = 4096
IN_FEATURES = 3
NUM_CLASSES = 16
NUM_PARTS = 16
SA_CFG = (
    (1024, (0.1, 0.2), (16, 32), ((16, 16, 32), (32, 32, 64))),
    (256, (0.2, 0.4), (16, 32), ((64, 64, 128), (64, 96, 128))),
    (64, (0.4, 0.8), (16, 32), ((128, 196, 256), (128, 196, 256))),
    (16, (0.8, 1.6), (16, 32), ((256, 256, 512), (256, 384, 512))),
)
FP_DIMS = ((512, 512), (512, 512), (256, 256), (128, 128))


def _mk_layer(key, c_in, c_out):
    key, k1 = jax.random.split(key)
    W = jax.random.normal(k1, (c_out, c_in), jnp.float32) / np.sqrt(c_in)
    return key, {"W": W, "b": jnp.zeros((c_out,), jnp.float32),
                 "g": jnp.ones((c_out,), jnp.float32), "be": jnp.zeros((c_out,), jnp.float32)}


def _mk_mlp(key, c_in, dims):
    layers = []
    c = c_in
    for d in dims:
        key, L = _mk_layer(key, c, d)
        layers.append(L)
        c = d
    return key, layers


def setup_inputs(seed: int = 0):
    key = jax.random.key(seed)
    key, kp = jax.random.split(key)
    points = jax.random.uniform(kp, (B, N, 3 + IN_FEATURES), jnp.float32)
    params = {"sa": [], "fp": []}
    c_prev = IN_FEATURES
    for (m, radii, ns, mlps) in SA_CFG:
        scales = []
        for dims in mlps:
            key, mlp = _mk_mlp(key, c_prev + 3, dims)
            scales.append(mlp)
        params["sa"].append(scales)
        c_prev = sum(d[-1] for d in mlps)
    fp_in = (1024 + 512, 512 + 256, 512 + 96, 256 + IN_FEATURES)
    for cin, dims in zip(fp_in, FP_DIMS):
        key, mlp = _mk_mlp(key, cin, dims)
        params["fp"].append(mlp)
    key, fl1 = _mk_layer(key, 128, 128)
    key, fl2 = _mk_layer(key, 128, NUM_PARTS)
    key, pp1 = _mk_layer(key, 128, 128 * NUM_PARTS)
    key, kg = jax.random.split(key)
    Wg = jax.random.normal(kg, (NUM_PARTS, NUM_CLASSES, 128), jnp.float32) / np.sqrt(128.0)
    params["final"] = (fl1, fl2)
    params["part"] = (pp1, {"W": Wg, "b": jnp.zeros((NUM_PARTS, NUM_CLASSES), jnp.float32)})
    return {"points": points, "params": params}


def _conv(x, L):
    y = jnp.einsum('oc,bc...->bo...', L["W"], x)
    return y + L["b"].reshape((1, -1) + (1,) * (y.ndim - 2))


def _bn(x, L):
    axes = (0,) + tuple(range(2, x.ndim))
    mean = jnp.mean(x, axis=axes, keepdims=True)
    var = jnp.var(x, axis=axes, keepdims=True)
    sh = (1, -1) + (1,) * (x.ndim - 2)
    return (x - mean) / jnp.sqrt(var + 1e-5) * L["g"].reshape(sh) + L["be"].reshape(sh)


def _mlp(x, layers):
    for L in layers:
        x = jax.nn.relu(_bn(_conv(x, L), L))
    return x


def _fps(xyz, m):
    b, n, _ = xyz.shape

    def body(carry, _):
        dist, last = carry
        last_xyz = jnp.take_along_axis(xyz, last[:, None, None], axis=1)
        d = jnp.sum((xyz - last_xyz) ** 2, axis=-1)
        dist = jnp.minimum(dist, d)
        nxt = jnp.argmax(dist, axis=-1).astype(jnp.int32)
        return (dist, nxt), last

    init = (jnp.full((b, n), 1e10, jnp.float32), jnp.zeros((b,), jnp.int32))
    _, idxs = jax.lax.scan(body, init, None, length=m)
    return jnp.transpose(idxs)


def _gather_pts(p, idx):
    return jax.vmap(lambda pp, ii: pp[ii])(p, idx)


def _gather_feats(f, idx):
    return jax.vmap(lambda ff, ii: ff[:, ii])(f, idx)


def _ball_query(xyz, new_xyz, radius, nsample):
    n = xyz.shape[1]
    d2 = jnp.sum((new_xyz[:, :, None, :] - xyz[:, None, :, :]) ** 2, axis=-1)
    mask = d2 <= radius * radius
    keys = jnp.where(mask, jnp.arange(n)[None, None, :], n)
    order = jnp.argsort(keys, axis=-1)[:, :, :nsample]
    cnt = jnp.sum(mask, axis=-1, keepdims=True)
    idx = jnp.where(jnp.arange(nsample)[None, None, :] < cnt, order, order[:, :, :1])
    return idx


def _set_abstraction(xyz, feats, m, radii, nsamples, scales):
    fidx = _fps(xyz, m)
    new_xyz = _gather_pts(xyz, fidx)
    outs = []
    for r, s, mlp in zip(radii, nsamples, scales):
        idx = _ball_query(xyz, new_xyz, r, s)
        gx = _gather_pts(xyz, idx) - new_xyz[:, :, None, :]
        h = jnp.transpose(gx, (0, 3, 1, 2))
        if feats is not None:
            h = jnp.concatenate([h, _gather_feats(feats, idx)], axis=1)
        h = _mlp(h, mlp)
        outs.append(jnp.max(h, axis=-1))
    return new_xyz, jnp.concatenate(outs, axis=1)


def _feature_prop(ux, kx, uf, kf, mlp):
    d2 = jnp.sum((ux[:, :, None, :] - kx[:, None, :, :]) ** 2, axis=-1)
    negd, idx = jax.lax.top_k(-d2, 3)
    w = 1.0 / (jnp.maximum(-negd, 0.0) + 1e-8)
    w = w / jnp.sum(w, axis=-1, keepdims=True)
    interp = jnp.sum(_gather_feats(kf, idx) * w[:, None, :, :], axis=-1)
    h = jnp.concatenate([interp, uf], axis=1) if uf is not None else interp
    return _mlp(h, mlp)


def _forward(points, params):
    bb, nn = points.shape[0], points.shape[1]
    xyz = points[..., :3]
    feats = jnp.transpose(points[..., 3:], (0, 2, 1)) if points.shape[-1] > 3 else None
    xyz_list, feat_list = [xyz], [feats]
    cx, cf = xyz, feats
    for (m, radii, ns, _), scales in zip(SA_CFG, params["sa"]):
        cx, cf = _set_abstraction(cx, cf, m, radii, ns, scales)
        xyz_list.append(cx)
        feat_list.append(cf)
    t = -2
    for mlp in params["fp"]:
        feat_list[t] = _feature_prop(xyz_list[t], xyz_list[t + 1], feat_list[t], feat_list[t + 1], mlp)
        t -= 1
    f0 = feat_list[0]
    fl1, fl2 = params["final"]
    h = jax.nn.relu(_bn(_conv(f0, fl1), fl1))
    parts = _conv(h, fl2)
    parts_sm = jax.nn.softmax(parts, axis=1)
    pp1, ppg = params["part"]
    h2 = jax.nn.relu(_conv(f0, pp1))
    h2 = h2.reshape(bb, NUM_PARTS, 128, nn)
    pred = jnp.einsum('pgc,bpcn->bpgn', ppg["W"], h2) + ppg["b"][None, :, :, None]
    pred = pred.reshape(bb, NUM_PARTS * NUM_CLASSES, nn)
    weighted = (pred.reshape(bb, NUM_CLASSES, NUM_PARTS, nn) * parts_sm[:, None, :, :]).sum(axis=2)
    return jnp.concatenate([parts, weighted], axis=1)


def reference(points, params):
    return _forward(points, params)

if __name__ == "__main__":
    import jax
    _d = setup_inputs()
    print(jax.jit(kernel)(*tuple(_d.values())))

</pallas_src>

<mosaic_0001>
module attributes {stable_mosaic.version = 14 : i64} {
  func.func @_identity_kernel(%arg0: memref<4x32x4096xf32, #tpu.memory_space<vmem>>, %arg1: memref<4x32x4096xf32, #tpu.memory_space<vmem>>) attributes {dimension_semantics = [], scalar_prefetch = 0 : i64, scratch_operands = 0 : i64, tpu.core_type = #tpu.core_type<tc>} {
    %get3A = arith.constant 0 : index
    %get3A_0 = arith.constant 0 : index
    %get3A_1 = arith.constant 0 : index
    %get3A_2 = vector.load %arg0[%get3A, %get3A_0, %get3A_1] : memref<4x32x4096xf32, #tpu.memory_space<vmem>>, vector<4x32x4096xf32>
    %swap3A = arith.constant 0 : index
    %swap3A_3 = arith.constant 0 : index
    %swap3A_4 = arith.constant 0 : index
    %swap3A_5 = vector.load %arg1[%swap3A, %swap3A_3, %swap3A_4] : memref<4x32x4096xf32, #tpu.memory_space<vmem>>, vector<4x32x4096xf32>
    tpu.vector_store %arg1[%swap3A, %swap3A_3, %swap3A_4], %get3A_2 {strides = array<i32>} : memref<4x32x4096xf32, #tpu.memory_space<vmem>>, vector<4x32x4096xf32>,
    return
  }
}

</mosaic_0001>

<sc_bundles>
// kernel: gather_offload_async_start
scs
__scs_entry_jumppad:
0x0: {  	(pc) =	sbr.rel $0x88, $3  }
0x1: {  	(tag) =	ssettag $0x0;
	lr =	simm.s32 $0x1  }
0x2: {  	[smem:$0x3F16] =	sst lr;
	_ =	strace $0xD0000000  }
0x3: {  	_ = 	snop  }
0x4: {  	_ = 	snop  }
0x5: {  	_ = 	snop  }
0x6: {  	_ = 	snop  }
0x7: {  	_ = 	snop  }
__scs_overlays_trampoline_lowered:
0x8: {  	[smem:$0x3F25] =	sst s0  }
0x9: {  	[smem:$0x3F26] =	sst s1  }
0xa: {  	[smem:$0x3F27] =	sst s2  }
0xb: {  	[smem:$0x3F28] =	sst s3  }
0xc: {  	[smem:$0x3F29] =	sst s4  }
0xd: {  	[smem:$0x3F2A] =	sst s5  }
0xe: {  	[smem:$0x3F2B] =	sst s6  }
0xf: {  	[smem:$0x3F2C] =	sst s7  }
0x10: {  	[smem:$0x3F2D] =	sst s8  }
0x11: {  	[smem:$0x3F2E] =	sst s9;
	s0 =	simm.s32 @!p0 $0x0  }
0x12: {  	s1 =	sld [smem:$0x3F14];
	s0 =	simm.s32 @p0 $0x1  }
0x13: {  	[smem:$0x3F2F] =	sst s0;
	s0 =	simm.s32 @!p1 $0x0  }
0x14: {  	s2 =	sld [smem:$0x3F13];
	s0 =	simm.s32 @p1 $0x1  }
0x15: {  	[smem:$0x3F30] =	sst s0;
	s0 =	simm.s32 @!p2 $0x0  }
0x16: {  	s3 =	sld [smem:$0x3FDB];
	s0 =	simm.s32 @p2 $0x1  }
0x17: {  	s4 =	simm.s32 $0x1BF5;
	[smem:$0x3F32] =	sst s0  }
0x18: {  	s0 =	sld [smem:$0x3F15];
	_ =	swait.ge [sflag:s4], $0x0  }
0x19: {  	s7 =	sld [smem:$0x3F16]  }
0x1a: {  	s8 =	sadd.s32 $0xFFFFE003, lr  }
0x1b: {  	s9 =	sadd.s32 $0xFFFFFEF7, lr;
	s5 =	simm.s32 $0xFFFFFFFF;
	p2 =	slt.u32 s8, $0xFFFFF086  }
0x1c: {  	p1 =	slt.u32 s9, $0xF7A;
	s5 =	simm.s32 @!p2 $0x0  }
0x1d: {  	s5 =	simm.s32 @p1 $0x1;
	p0 =	seq.s32 s7, s2  }
0x1e: {  	s7 =	smul.u32 @!p0 $0xF7A, s2;
	p2 =	seq.s32 @!p0 s5, $0x0  }
0x1f: {  	s9 =	smul.u32 $0xF7A, s1;
	s8 =	simm.s32 @!p0 $0x1BF5;
	p2 =	por !p2, p0  }
0x20: {  	[sflag:s8] =	ssyncset.s32 @!p0 $0xFFFFF086;
	s6 =	sadd.s32 @!p0 s3, s7;
	s7 =	simm.s32 @!p0 $0x108  }
0x21: {  	s3 =	sadd.s32 s3, s9;
	s6 =	sadd.s32 @!p0 $0x88, s6;
	s7 =	simm.s32 @p2 $0x1082  }
0x22: {  	[simem:s7], [sflag:s8] =	dma.local @!p0 [hbm:s6], $0xF7A  }
0x23: {  	s9 =	sor.u32 $0xD0000000, s2;
	s6 =	simm.s32 $0x108;
	_ =	swait.ge @!p0 [sflag:s8], $0x0  }
0x24: {  	s3 =	sadd.s32 $0x88, s3;
	s6 =	simm.s32 @!p1 $0x1082;
	[sflag:s4] =	ssyncset.s32 $0xFFFFF086  }
0x25: {  	[simem:s6], [sflag:s4] =	dma.local [hbm:s3], $0xF7A  }
0x26: {  	[smem:$0x3F16] =	sst s1;
	(tag) =	ssettag s2;
	_ =	strace s9  }
0x27: {  	s1 =	sld [smem:$0x3F26]  }
0x28: {  	s2 =	sld [smem:$0x3F27]  }
0x29: {  	s4 =	sld [smem:$0x3F29]  }
0x2a: {  	p0 =	seq.s32 s5, $0x0;
	s5 =	sld [smem:$0x3F2A]  }
0x2b: {  	s6 =	sld [smem:$0x3F2B]  }
0x2c: {  	s7 =	sld [smem:$0x3F2C]  }
0x2d: {  	s3 =	simm.s32 $0x108;
	s8 =	sld [smem:$0x3F2D]  }
0x2e: {  	s3 =	simm.s32 @!p0 $0x1082;
	s9 =	sld [smem:$0x3F2E]  }
0x2f: {  	lr =	sadd.s32 s0, s3;
	s0 =	sld [smem:$0x3F25]  }
0x30: {  	s3 =	sld [smem:$0x3F28]  }
0x31: {  	[smem:$0x3F31] =	sst s10  }
0x32: {  	s10 =	sld [smem:$0x3F2F];
	_ =	sdelay $0x3  }
0x33: {  	p0 =	seq.s32 s10, $0x1;
	s10 =	sld [smem:$0x3F31];
	_ =	sdelay $0x3  }
0x34: {  	[smem:$0x3F31] =	sst s10  }
0x35: {  	s10 =	sld [smem:$0x3F30];
	_ =	sdelay $0x3  }
0x36: {  	p1 =	seq.s32 s10, $0x1;
	s10 =	sld [smem:$0x3F31];
	_ =	sdelay $0x3  }
0x37: {  	[smem:$0x3F31] =	sst s10  }
0x38: {  	s10 =	sld [smem:$0x3F32]  }
0x39: {  	_ = 	snop;
	(pc) =	sbr.ind lr, $3  }
0x3a: {  	_ = 	snop  }
0x3b: {  	_ = 	snop  }
0x3c: {  	p2 =	seq.s32 s10, $0x1;
	s10 =	sld [smem:$0x3F31]  }
0x3d: {  	_ =	shalt  }
0x3e: {  	_ =	shalt  }
0x3f: {  	_ =	shalt  }
0x40: {  	_ =	shalt  }
0x41: {  	_ =	shalt  }
0x42: {  	_ =	shalt  }
0x43: {  	_ =	shalt  }
0x44: {  	_ =	shalt  }
0x45: {  	_ =	shalt  }
0x46: {  	_ =	shalt  }
0x47: {  	_ =	shalt  }
0x48: {  	_ =	shalt  }
0x49: {  	_ =	shalt  }
0x4a: {  	_ =	shalt  }
0x4b: {  	_ =	shalt  }
0x4c: {  	_ =	shalt  }
0x4d: {  	_ =	shalt  }
0x4e: {  	_ =	shalt  }
0x4f: {  	_ =	shalt  }
0x50: {  	_ =	shalt  }
0x51: {  	_ =	shalt  }
0x52: {  	_ =	shalt  }
0x53: {  	_ =	shalt  }
0x54: {  	_ =	shalt  }
0x55: {  	_ =	shalt  }
0x56: {  	_ =	shalt  }
0x57: {  	_ =	shalt  }
0x58: {  	_ =	shalt  }
0x59: {  	_ =	shalt  }
0x5a: {  	_ =	shalt  }
0x5b: {  	_ =	shalt  }
0x5c: {  	_ =	shalt  }
0x5d: {  	_ =	shalt  }
0x5e: {  	_ =	shalt  }
0x5f: {  	_ =	shalt  }
0x60: {  	_ =	shalt  }
0x61: {  	_ =	shalt  }
0x62: {  	_ =	shalt  }
0x63: {  	_ =	shalt  }
0x64: {  	_ =	shalt  }
0x65: {  	_ =	shalt  }
0x66: {  	_ =	shalt  }
0x67: {  	_ =	shalt  }
0x68: {  	_ =	shalt  }
0x69: {  	_ =	shalt  }
0x6a: {  	_ =	shalt  }
0x6b: {  	_ =	shalt  }
0x6c: {  	_ =	shalt  }
0x6d: {  	_ =	shalt  }
0x6e: {  	_ =	shalt  }
0x6f: {  	_ =	shalt  }
0x70: {  	_ =	shalt  }
0x71: {  	_ =	shalt  }
0x72: {  	_ =	shalt  }
0x73: {  	_ =	shalt  }
0x74: {  	_ =	shalt  }
0x75: {  	_ =	shalt  }
0x76: {  	_ =	shalt  }
0x77: {  	_ =	shalt  }
0x78: {  	_ =	shalt  }
0x79: {  	_ =	shalt  }
0x7a: {  	_ =	shalt  }
0x7b: {  	_ =	shalt  }
0x7c: {  	_ =	shalt  }
0x7d: {  	_ =	shalt  }
0x7e: {  	_ =	shalt  }
0x7f: {  	_ =	shalt  }
0x80: {  	_ =	shalt  }
0x81: {  	_ =	shalt  }
0x82: {  	_ =	shalt  }
0x83: {  	_ =	shalt  }
0x84: {  	_ =	shalt  }
0x85: {  	_ =	shalt  }
0x86: {  	_ =	shalt  }
0x87: {  	_ =	shalt  }
.Lfunc_end0:
.L_simem_size_0:
called_computation.1_lowered:
.L_overlay_start_0:
0x88: {  	s2 =	sld [smem:$0x3FD9]  }
0x89: {  	s3 =	sld [smem:$0x3FFE];
	_ =	sdelay $0x1  }
0x8a: {  	s1 =	srdreg.scid  }
0x8b: {  	s0 =	sand.u32 $0x1, s1  }
0x8c: {  	s17 =	sshll.u32 s0, $0xA;
	s2 =	sadd.s32 s3, s2  }
0x8d: {  	s2 =	sadd.s32 s2, s17  }
0x8e: {  	[smem:$0x3F3D] =	sst s2  }
0x8f: {  	_ = 	snop  }
0x90: {  	s2 =	sld [smem:$0x3FD0];
	(tm) =	ssettm $0x1  }
0x91: {  	s18 =	sld [smem:$0x3FFB];
	_ =	sdelay $0x3  }
0x92: {  	_ =	strace s18  }
0x93: {  	s3 =	sld [smem:$0x3FFC];
	_ =	sdelay $0x3  }
0x94: {  	_ =	strace s3  }
0x95: {  	s3 =	sld [smem:$0x3FFD];
	_ =	sdelay $0x3  }
0x96: {  	_ =	strace s3  }
0x97: {  	_ =	strace $0x8FFFFFFF  }
0x98: {  	s19 =	sld [smem:$0x3FDB];
	_ =	sdelay $0x1  }
0x99: {  	s4 =	simm.s32 $_scs_section_size  }
0x9a: {  	s5 =	simm.s32 $_size__tile_overlayer_lowered;
	s6 =	simm.s32 $_tile_overlayer_lowered  }
0x9b: {  	s22 =	simm.s32 $0x1BFF;
	s21 =	sshll.u32 s6, $0x1;
	s3 =	sadd.s32 s4, s19  }
0x9c: {  	s7 =	simm.s32 $0x0;
	s20 =	sshll.u32 s5, $0x1;
	s5 =	sadd.s32 s21, s3  }
0x9d: {  	[timem:s7], [sflag:s22] =	dma.local [hbm:s5], s20  }
0x9e: {  	_ =	swait.ge [sflag:s22], s20  }
0x9f: {  	s4 =	ssub.s32 $0x0, s20;
	[sflag:s22] =	ssyncset.done $0x0  }
0xa0: {  	[sflag:s22] =	ssyncadd.s32 s4;
	_ =	sdelay $0x1  }
0xa1: {  	s23 =	simm.s32 $0x1B8B  }
0xa2: {  	_ =	swait.ge [sflag:s23], $0x1  }
0xa3: {  	[sflag:s23] =	ssyncset.done $0x0  }
0xa4: {  	s25 =	simm.s32 $0x1B8E;
	s24 =	sld [smem:$0x3FFE];
	[sflag:s23] =	ssyncadd.s32 $0xFFFFFFFF  }
0xa5: {  	s26 =	simm.s32 $execute0_lowered;
	[smem:$0x3FD2] =	sst s25  }
0xa6: {  	s5 =	sshll.u32 s26, $0x1;
	_ =	strace $0x80000046;
	[dreg:$0x1] =	wrdreg $0xFFFFFFFF  }
0xa7: {  	s28 =	simm.s32 $_size_execute0_lowered;
	s3 =	sadd.s32 s3, s5;
	[dreg:$0x0] =	wrdreg $0x0  }
0xa8: {  	s5 =	sshll.u32 s28, $0x1;
	[dreg:$0x2] =	wrdreg s3  }
0xa9: {  	[dreg:$0x3] =	wrdreg s5  }
0xaa: {  	[dreg:$0x4] =	wrdreg $0xC0  }
0xab: {  	_ =	task [dreg:s7], $0x5FFFF  }
0xac: {  	[dreg:$0x1] =	wrdreg $0xFFFFFFFF  }
0xad: {  	[dreg:$0x0] =	wrdreg $0x60  }
0xae: {  	[dreg:$0x2] =	wrdreg s24  }
0xaf: {  	[dreg:$0x3] =	wrdreg s2  }
0xb0: {  	[dreg:$0x4] =	wrdreg $0x9  }
0xb1: {  	_ =	task.clear_ibuf [dreg:s7], $0x5FFFF;
	_ =	strace $0x90000046  }
0xb2: {  	s29 =	simm.s32 $0x9;
	_ =	strace $0x80000048  }
0xb3: {  	_ =	swait.ge [sflag:s29], $0x1  }
0xb4: {  	[sflag:s29] =	ssyncadd.s32 $0xFFFFFFFF  }
0xb5: {  	_ =	strace $0x90000048  }
0xb6: {  	_ =	sfence  }
0xb7: {  	s30 =	sld [smem:$0x0];
	_ =	sdelay $0x2  }
0xb8: {  	s31 =	sshll.u32 s1, $0xD;
	s1 =	sshrl.u32 s1, $0x2  }
0xb9: {  	s3 =	sand.u32 $0x4000, s31;
	s1 =	sadd.s32 s1, s30  }
0xba: {  	s0 =	sor.u32 s3, s0;
	s1 =	sshll.u32 s1, $0x11  }
0xbb: {  	s0 =	sor.u32 s1, s0  }
0xbc: {  	s0 =	sadd.s32 $0x8F2B, s0  }
0xbd: {  	[sflag:s0] =	ssyncadd.remote.s32 $0x1  }
0xbe: {  	_ =	sfence.sel $0xFFFF  }
0xbf: {  	[dreg:$0x0] =	wrdreg $0xFFFFFFFF;
	(pc) =	sbr.abs _section_cstart, $3  }
0xc0: {  	[dreg:$0x1] =	wrdreg $0xFFFFFFFF  }
0xc1: {  	_ =	task.clear_ibuf [dreg:s7], $0x2FFFF;
	_ =	strace $0x9FFFFFFF  }
0xc2: {  	(tm) =	ssettm $0x7FFFFFFF  }
0xc3: {  	_ =	shalt  }
tec
execute0_lowered:
.L_overlay_start_1:
0x0: {  	(tag) =	ssettag $0x1  }
0x1: {  	s7 =	rddreg [dreg:$0x0]  }
0x2: {  	s2 =	rddreg [dreg:$0x1]  }
0x3: {  	s0 =	rddreg [dreg:$0x2]  }
0x4: {  	s1 =	srdreg.scid;
	_ =	strace $0x80000047;
	s4 =	simm.s32 $0x1  }
0x5: {  	s9 =	simm.s32 $0x3;
	s12 =	simm.s32 $0x0;
	s5 =	sshll.u32 s1, $0x4  }
.Ltmp0:
0x6: {  	s1 =	stileid.u32;
	s5 =	sand.u32 $0x10, s5;
	(pc) =	sbr.rel .LBB2_1-.Ltmp0, $4  }
0x7: {  	s10 =	simm.s32 $0x0;
	s3 =	sadd.s32 $0x200, s7;
	s6 =	sor.u32 s1, s5  }
0x8: {  	[sflag:s4] =	ssyncpa.u1 $0x0;
	s5 =	simm.s32 $0x2;
	s6 =	sshll.u32 s6, $0x7  }
0x9: {  	s7 =	sadd.s32 $0x40200, s7;
	[sflag:s5] =	ssyncpa.u1 $0x0;
	s8 =	sadd.s32 $0x80, s6  }
0xa: {  	vm0 =	vmmov $0xff;
	vm1 =	vcmask $0x3F20;
	[sflag:s9] =	ssyncpa.u1 $0x0;
	s9 =	simm.s32 $0x80;
	s11 =	smov.u32 s6  }
.LBB2_9:
0xb: {  	p0 =	seq.s32 s10, $0x2  }
.Ltmp1:
0xc: {  	_ = 	snop;
	(pc) =	sbr.rel @p0 .LBB2_11-.Ltmp1, $1  }
0xd: {  	_ =	sdelay $0x3  }
.LBB2_10:
0xe: {  	s12 =	sadd.s32 $0x80, s11  }
0xf: {  	s13 =	smov.u32 s6;
	p0 =	slt.s32 s12, s8  }
0x10: {  	s13 =	smov.u32 @p0 s12  }
0x11: {  	s10 =	sadd.s32 $0x1, s10;
	s12 =	smov.u32 s11;
	s11 =	smov.u32 s13  }
.LBB2_1:
0x12: {  	p0 =	sne.s32 s10, $0x0  }
.Ltmp2:
0x13: {  	_ = 	snop;
	(pc) =	sbr.rel @!p0 .LBB2_2-.Ltmp2, $1  }
0x14: {  	_ =	sdelay $0x3  }
0x15: {  	s13 =	sand.u32 $0x1, s10  }
0x16: {  	p0 =	seq.s32 s13, $0x0  }
.Ltmp3:
0x17: {  	_ = 	snop;
	(pc) =	sbr.rel @p0 .LBB2_9-.Ltmp3, $1  }
0x18: {  	_ =	sdelay $0x3  }
0x19: {  	_ =	swait.ge [sflag:s5], $0x80  }
0x1a: {  	[sflag:s5] =	ssyncset.done $0x0  }
0x1b: {  	s13 =	simm.s32 $0x0;
	[sflag:s5] =	ssyncadd.s32 $0xFFFFFF80  }
0x1c: {  	v0 =	vld.msk [tilespmem:s13+$0x80 ss:$0x1], $0xffff;
	_ =	sdelay $0x4  }
0x1d: {  	v1 =	vshll.u32 v0, $0x5  }
0x1e: {  	vm2 =	veq.s32 v0, $0x80000000;
	v0 =	vshll.u32 v0, $0x13;
	v1 =	vand.u32 $0x7FF80, v1  }
0x1f: {  	v0 =	vand.u32 $0x180000, v0;
	v1 =	vsel vm2, $0xFFFFFF80, v1  }
0x20: {  	v0 =	vsel vm2, $0xFFF80000, v0;
	v2 =	vand.u32 $0xFFFFFC00, v1  }
0x21: {  	v1 =	vand.u32 $0x380, v1;
	v0 =	vadd.s32 v0, v2  }
0x22: {  	v0 =	vor.u32 v1, v0  }
0x23: {  	v0 =	vshrl.u32 v0, $0x3;
	_ =	sdelay $0x3  }
0x24: {  	s13 =	simm.s32 $0x4100  }
0x25: {  	[tilespmem:s13], [sflag:$0x1] =	stream.indirect_vreg.gather [hbm:s3], $0x80, v0, vm0, $0x38;
	[tilespmem:$0x8100] =	vst v63  }
0x26: {  	s14 =	simm.s32 $0x4500;
	s31 =	simm.s32 $0x10  }
0x27: {  	[tilespmem:s14], [sflag:$0x1] =	stream.indirect_vreg.gather [hbm:s3], $0x80, v0, vm1, $0x38;
	[tilespmem:$0x8100] =	vst v63  }
0x28: {  	s14 =	simm.s32 $0x80;
	v0 =	vld.msk [tilespmem:s31+$0x80 ss:$0x1], $0xffff  }
.LBB2_5:
0x29: {  	p0 =	sne.s32 s14, $0x1C0;
	_ =	sdelay $0x4  }
0x2a: {  	v1 =	vshll.u32 v0, $0x5  }
0x2b: {  	vm2 =	veq.s32 v0, $0x80000000;
	v0 =	vshll.u32 v0, $0x13;
	v1 =	vand.u32 $0x7FF80, v1  }
0x2c: {  	v0 =	vand.u32 $0x180000, v0;
	v1 =	vsel vm2, $0xFFFFFF80, v1  }
0x2d: {  	v0 =	vsel vm2, $0xFFF80000, v0;
	v2 =	vand.u32 $0xFFFFFC00, v1  }
0x2e: {  	v1 =	vand.u32 $0x380, v1;
	v0 =	vadd.s32 v0, v2  }
0x2f: {  	v0 =	vor.u32 v1, v0  }
0x30: {  	v0 =	vshrl.u32 v0, $0x3;
	_ =	sdelay $0x3  }
.Ltmp4:
0x31: {  	s13 =	sadd.s32 $0x800, s13;
	(pc) =	sbr.rel @p0 .LBB2_5-.Ltmp4, $4  }
0x32: {  	[tilespmem:s13], [sflag:$0x1] =	stream.indirect_vreg.gather [hbm:s3], $0x80, v0, vm0, $0x38;
	[tilespmem:$0x8100] =	vst v63  }
0x33: {  	s15 =	sshra.s32 s14, $0x2;
	s16 =	sadd.s32 $0x400, s13  }
0x34: {  	[tilespmem:s16], [sflag:$0x1] =	stream.indirect_vreg.gather [hbm:s3], $0x80, v0, vm1, $0x38;
	[tilespmem:$0x8100] =	vst v63  }
0x35: {  	s14 =	sadd.s32 $0x40, s14;
	v0 =	vld.msk [tilespmem:s15+$0x80 ss:$0x1], $0xffff  }
0x36: {  	_ =	sdelay $0x3  }
0x37: {  	v1 =	vshll.u32 v0, $0x5  }
0x38: {  	vm2 =	veq.s32 v0, $0x80000000;
	v63 =	vshll.u32 v0, $0x13;
	v1 =	vand.u32 $0x7FF80, v1  }
0x39: {  	v0 =	vand.u32 $0x180000, v63;
	v1 =	vsel vm2, $0xFFFFFF80, v1  }
0x3a: {  	v0 =	vsel vm2, $0xFFF80000, v0;
	v2 =	vand.u32 $0xFFFFFC00, v1  }
0x3b: {  	v1 =	vand.u32 $0x380, v1;
	v0 =	vadd.s32 v0, v2  }
0x3c: {  	v0 =	vor.u32 v1, v0  }
0x3d: {  	v0 =	vshrl.u32 v0, $0x3;
	_ =	sdelay $0x3  }
0x3e: {  	s13 =	sadd.s32 $0x800, s13  }
0x3f: {  	[tilespmem:s13], [sflag:$0x1] =	stream.indirect_vreg.gather [hbm:s3], $0x80, v0, vm0, $0x38;
	[tilespmem:$0x8100] =	vst v63  }
0x40: {  	s13 =	sadd.s32 $0x400, s13  }
0x41: {  	[tilespmem:s13], [sflag:$0x1] =	stream.indirect_vreg.gather [hbm:s3], $0x80, v0, vm1, $0x38;
	[tilespmem:$0x8100] =	vst v63  }
0x42: {  	s12 =	sshll.u32 s12, $0x4;
	s14 =	simm.s32 $0x80;
	_ =	swait.ge [sflag:s4], $0x4000  }
0x43: {  	s15 =	simm.s32 $0x4500;
	s12 =	sadd.s32 s12, s2;
	[sflag:s4] =	ssyncset.done $0x0  }
0x44: {  	s16 =	sadd.s32 $0x0, s12;
	s13 =	simm.s32 $0x4100;
	[sflag:s4] =	ssyncadd.s32 $0xFFFFC000  }
.LBB2_7:
0x45: {  	[hbm:s16] =	stream.linear.scatter [tilespmem:s13], [sflag:$0x3], $0x400, $0x38;
	[tilespmem:$0x8100] =	vst v63  }
0x46: {  	s16 =	smov.u32 s14;
	s13 =	smov.u32 s15;
	p0 =	sne.s32 s14, $0x780  }
.Ltmp5:
0x47: {  	s14 =	sadd.s32 $0x80, s14;
	(pc) =	sbr.rel @p0 .LBB2_7-.Ltmp5, $2  }
0x48: {  	_ =	sdelay $0x2  }
0x49: {  	s15 =	sadd.s32 $0x400, s15;
	s16 =	sadd.s32 s16, s12  }
.Ltmp6:
0x4a: {  	(pc) =	sbr.rel .LBB2_9-.Ltmp6, $2  }
0x4b: {  	_ =	sdelay $0x2  }
0x4c: {  	[hbm:s16] =	stream.linear.scatter [tilespmem:s13], [sflag:$0x3], $0x400, $0x38;
	[tilespmem:$0x8100] =	vst v63  }
.LBB2_2:
.Ltmp7:
0x4d: {  	(pc) =	sbr.rel .LBB2_10-.Ltmp7, $4  }
0x4e: {  	_ = 	snop  }
0x4f: {  	s12 =	sshrl.u32 s11, $0x3  }
0x50: {  	s13 =	sand.u32 $0x7, s11;
	s12 =	sadd.s32 s7, s12  }
0x51: {  	[tilespmem:s9], [sflag:$0x2] =	stream.linear.gather [hbm4b:s12+s13], $0x80, $0x38;
	[tilespmem:$0x8100] =	vst v63  }
.LBB2_11:
0x52: {  	s2 =	simm.s32 $0x3  }
0x53: {  	_ =	swait.ge [sflag:s2], $0x4000  }
0x54: {  	[sflag:s2] =	ssyncset.done $0x0  }
0x55: {  	[sflag:s2] =	ssyncadd.s32 $0xFFFFC000  }
0x56: {  	_ =	sfence.sel $0x180000  }
0x57: {  	s3 =	simm.s32 $0x2;
	[bflag:$0x0] =	sbarrier.arrive $0xFFFF  }
0x58: {  	[sflag:s3] =	ssyncpa.u1 $0x1  }
0x59: {  	s31 =	simm.s32 $0x1;
	[sflag:s2] =	ssyncpa.u1 $0x1  }
0x5a: {  	[sflag:s31] =	ssyncpa.u1 $0x1  }
0x5b: {  	p0 =	sne.s32 s1, $0x0;
	_ =	strace $0x90000047  }
0x5c: {  	s0 =	sadd.s32 @!p0 $0x100000, s0;
	[bflag:$0x2] =	sbarrier.arrive $0xFFFF  }
0x5d: {  	[sflag:s0] =	ssyncadd.tile.s32 @!p0 $0x1;
	_ =	shalt  }
.Lfunc_end2:
_tile_overlayer_lowered:
.L_overlay_start_2:
0x5e: {  	(tag) =	ssettag $0x2  }
0x5f: {  	s0 =	rddreg [dreg:$0x0];
	s2 =	stileid.u32  }
0x60: {  	s1 =	rddreg [dreg:$0x1];
	p0 =	sne.s32 s2, $0x0  }
0x61: {  	s3 =	rddreg [dreg:$0x2];
	[bflag:$0x3] =	sbarrier.arrive $0xFFFF;
	s2 =	simm.s32 @!p0 $0x1C01  }
0x62: {  	[timem:s3], [sflag:s2] =	dma.local @!p0 [hbm:s0], s1  }
0x63: {  	s0 =	simm.s32 @!p0 $0x1  }
0x64: {  	_ =	swait.ge @!p0 [sflag:s0], s1  }
0x65: {  	s1 =	ssub.s32 @!p0 $0x0, s1;
	[sflag:s0] =	ssyncset.done @!p0 $0x0  }
0x66: {  	[sflag:s0] =	ssyncadd.s32 @!p0 s1  }
0x67: {  	[bflag:$0x3] =	sbarrier.arrive $0xFFFF  }
0x68: {  	_ =	shalt  }

// kernel: sparse-core-data-format-call.cloned.1.call-start
scs
called_computation_lowered:
.L_overlay_start_0:
0x0: {  	s1 =	sld [smem:$0x3FD9]  }
0x1: {  	s2 =	sld [smem:$0x3FFE];
	_ =	sdelay $0x1  }
0x2: {  	s3 =	srdreg.scid  }
0x3: {  	s0 =	sand.u32 $0x1, s3  }
0x4: {  	s17 =	sshll.u32 s0, $0xA;
	s1 =	sadd.s32 s2, s1  }
0x5: {  	s1 =	sadd.s32 s1, s17  }
0x6: {  	[smem:$0x3F3D] =	sst s1  }
0x7: {  	_ = 	snop  }
0x8: {  	(tm) =	ssettm $0x1  }
0x9: {  	s18 =	sld [smem:$0x3FFB];
	_ =	sdelay $0x3  }
0xa: {  	_ =	strace s18  }
0xb: {  	s1 =	sld [smem:$0x3FFC];
	_ =	sdelay $0x3  }
0xc: {  	_ =	strace s1  }
0xd: {  	s1 =	sld [smem:$0x3FFD];
	_ =	sdelay $0x3  }
0xe: {  	_ =	strace s1  }
0xf: {  	_ =	strace $0x8FFFFFFF  }
0x10: {  	s19 =	sld [smem:$0x3FDB];
	_ =	sdelay $0x1  }
0x11: {  	s20 =	simm.s32 $_scs_section_size  }
0x12: {  	s4 =	simm.s32 $_size__tile_overlayer_lowered;
	s5 =	simm.s32 $_tile_overlayer_lowered  }
0x13: {  	s23 =	simm.s32 $0x1BFF;
	s22 =	sshll.u32 s5, $0x1;
	s1 =	sadd.s32 s20, s19  }
0x14: {  	s6 =	simm.s32 $0x0;
	s21 =	sshll.u32 s4, $0x1;
	s4 =	sadd.s32 s22, s1  }
0x15: {  	[timem:s6], [sflag:s23] =	dma.local [hbm:s4], s21  }
0x16: {  	_ =	swait.ge [sflag:s23], s21  }
0x17: {  	s2 =	ssub.s32 $0x0, s21;
	[sflag:s23] =	ssyncset.done $0x0  }
0x18: {  	[sflag:s23] =	ssyncadd.s32 s2;
	_ =	sdelay $0x1  }
0x19: {  	s24 =	simm.s32 $0x1B8B  }
0x1a: {  	_ =	swait.ge [sflag:s24], $0x1  }
0x1b: {  	[sflag:s24] =	ssyncset.done $0x0  }
0x1c: {  	s26 =	simm.s32 $0x1B8E;
	s25 =	sld [smem:$0x3FFE];
	[sflag:s24] =	ssyncadd.s32 $0xFFFFFFFF  }
0x1d: {  	s27 =	simm.s32 $execute0_lowered;
	[smem:$0x3FD2] =	sst s26  }
0x1e: {  	s4 =	sshll.u32 s27, $0x1;
	_ =	strace $0x80000049;
	[dreg:$0x1] =	wrdreg $0xFFFFFFFF  }
0x1f: {  	s28 =	simm.s32 $_size_execute0_lowered;
	s1 =	sadd.s32 s1, s4;
	[dreg:$0x0] =	wrdreg $0x0  }
0x20: {  	s4 =	sshll.u32 s28, $0x1;
	[dreg:$0x2] =	wrdreg s1  }
0x21: {  	[dreg:$0x3] =	wrdreg s4  }
0x22: {  	[dreg:$0x4] =	wrdreg $0xC0  }
0x23: {  	_ =	task [dreg:s6], $0x5FFFF  }
0x24: {  	[dreg:$0x1] =	wrdreg $0xFFFFFFFF  }
0x25: {  	[dreg:$0x0] =	wrdreg $0x60  }
0x26: {  	[dreg:$0x2] =	wrdreg s25  }
0x27: {  	[dreg:$0x3] =	wrdreg $0x9  }
0x28: {  	_ =	task.clear_ibuf [dreg:s6], $0x4FFFF;
	_ =	strace $0x90000049  }
0x29: {  	s29 =	simm.s32 $0x9;
	_ =	strace $0x8000004B  }
0x2a: {  	_ =	swait.ge [sflag:s29], $0x1  }
0x2b: {  	[sflag:s29] =	ssyncadd.s32 $0xFFFFFFFF  }
0x2c: {  	_ =	strace $0x9000004B  }
0x2d: {  	_ =	sfence  }
0x2e: {  	s30 =	sld [smem:$0x0];
	_ =	sdelay $0x2  }
0x2f: {  	s31 =	sshll.u32 s3, $0xD;
	s3 =	sshrl.u32 s3, $0x2  }
0x30: {  	s2 =	sand.u32 $0x4000, s31;
	s1 =	sadd.s32 s3, s30  }
0x31: {  	s0 =	sor.u32 s2, s0;
	s1 =	sshll.u32 s1, $0x11  }
0x32: {  	s0 =	sor.u32 s1, s0  }
0x33: {  	s0 =	sadd.s32 $0x8F2B, s0  }
0x34: {  	[sflag:s0] =	ssyncadd.remote.s32 $0x1  }
0x35: {  	_ =	sfence.sel $0xFFFF  }
0x36: {  	[dreg:$0x0] =	wrdreg $0xFFFFFFFF;
	(pc) =	sbr.abs _section_cstart, $3  }
0x37: {  	[dreg:$0x1] =	wrdreg $0xFFFFFFFF  }
0x38: {  	_ =	task.clear_ibuf [dreg:s6], $0x2FFFF;
	_ =	strace $0x9FFFFFFF  }
0x39: {  	(tm) =	ssettm $0x7FFFFFFF  }
tec
execute0_lowered:
.L_overlay_start_1:
0x0: {  	(tag) =	ssettag $0x1  }
0x1: {  	s0 =	stileid.u32;
	s1 =	srdreg.scid  }
0x2: {  	s4 =	rddreg [dreg:$0x0];
	s7 =	simm.s32 $0x1;
	s31 =	simm.s32 $0x2  }
0x3: {  	s16 =	simm.s32 $0x0;
	s2 =	sshll.u32 s0, $0x5;
	s1 =	sshll.u32 s1, $0x9  }
0x4: {  	s9 =	simm.s32 $0x8000;
	s14 =	simm.s32 $0x0;
	s1 =	sor.u32 s2, s1  }
0x5: {  	s15 =	simm.s32 $0x0;
	s10 =	simm.s32 $0x0;
	s2 =	sand.u32 $0x380, s1  }
0x6: {  	s13 =	simm.s32 $0x0;
	s3 =	sadd.s32 $0x65600, s4;
	s5 =	ssub.s32 $0x1000, s2  }
0x7: {  	s4 =	sadd.s32 $0x265600, s4;
	s1 =	rddreg [dreg:$0x1];
	s6 =	sand.u32 $0x380, s5  }
.Ltmp0:
0x8: {  	_ =	strace $0x8000004A;
	p0 =	sne.s32 s6, $0x0;
	(pc) =	sbr.rel .LBB1_1-.Ltmp0, $4  }
0x9: {  	s11 =	smov.u32 s2;
	s8 =	sshrl.u32 s5, $0xA;
	s7 =	simm.s32 @!p0 $0x0  }
0xa: {  	s5 =	sand.u32 $0x3, s0;
	s6 =	simm.s32 $0x1;
	s7 =	sadd.s32 s7, s8  }
0xb: {  	s12 =	smov.u32 s5;
	[sflag:s6] =	ssyncpa.u1 $0x0;
	s7 =	sshll.u32 s7, $0x3  }
0xc: {  	p0 =	por $0x0, $0x0;
	[sflag:s31] =	ssyncpa.u1 $0x0;
	s8 =	sor.u32 $0x1, s7  }
.LBB1_4:
0xd: {  	v5 =	vld [tilespmem:s19+$0xFFFFFFD0]  }
0xe: {  	[tilespmem:s20+$0x2040 ss:$0x81] =	vst.msk $0xffff, v1;
	v58 =	vld [tilespmem:s19+$0xFFFFFFE0]  }
0xf: {  	[tilespmem:s20+$0x2850 ss:$0x81] =	vst.msk $0xffff, v2;
	v59 =	vld [tilespmem:s19+$0xFFFFFFF0]  }
0x10: {  	s21 =	sshra.s32 s21, $0x2;
	[tilespmem:s20+$0x3060 ss:$0x81] =	vst.msk $0xffff, v3;
	v60 =	vld [tilespmem:s19+$0x0]  }
0x11: {  	[tilespmem:s20+$0x0 ss:$0x81] =	vst.msk $0xffff, v0;
	v61 =	vld [tilespmem:s19+$0x10];
	s18 =	sadd.s32 s21, s18  }
0x12: {  	s26 =	sshll.u32 s16, $0xC;
	v62 =	vld [tilespmem:s19+$0x20];
	[tilespmem:s18+$0x3870 ss:$0x81] =	vst.msk $0xffff, v4  }
0x13: {  	s27 =	sand.u32 $0x78, s14;
	s22 =	sshll.u32 s14, $0x3;
	v63 =	vld [tilespmem:s19+$0xFFFFFFC0];
	s29 =	sshll.u32 s16, $0x7;
	[tilespmem:s18+$0x810 ss:$0x81] =	vst.msk $0xffff, v5  }
0x14: {  	s15 =	sshll.u32 s15, $0x13;
	s20 =	sand.u32 $0x3F8000, s26;
	s28 =	sand.u32 $0x3FFC00, s22;
	[tilespmem:s18+$0x1020 ss:$0x81] =	vst.msk $0xffff, v58  }
0x15: {  	s31 =	sand.u32 $0x7, s14;
	s22 =	sand.u32 $0xC00, s22;
	s19 =	sadd.s32 s28, s20;
	[tilespmem:s18+$0x1830 ss:$0x81] =	vst.msk $0xffff, v59  }
0x16: {  	s16 =	sand.u32 $0x380, s29;
	s30 =	sor.u32 s27, s22;
	s19 =	sshrl.u32 s19, $0x3;
	[tilespmem:s18+$0x2040 ss:$0x81] =	vst.msk $0xffff, v60  }
0x17: {  	s15 =	sadd.s32 s4, s15;
	s16 =	sor.u32 s16, s30;
	s19 =	sand.u32 $0x7FE00, s19;
	[tilespmem:s18+$0x2850 ss:$0x81] =	vst.msk $0xffff, v61  }
0x18: {  	s14 =	sshll.u32 s31, $0x12;
	s16 =	sshrl.u32 s16, $0x3;
	[tilespmem:s18+$0x3060 ss:$0x81] =	vst.msk $0xffff, v62;
	s15 =	sadd.s32 s19, s15  }
0x19: {  	s14 =	sor.u32 $0x400, s14;
	[tilespmem:s18+$0x0 ss:$0x81] =	vst.msk $0xffff, v63;
	s15 =	sadd.s32 s16, s15  }
0x1a: {  	[hbm4b:s15+s14] =	stream.strided.scatter [tilespmem:s17], [sflag:$0x2], $0x4000, s9, s14, $0x20;
	[tilespmem:$0x10100] =	vst v63  }
.LBB1_5:
0x1b: {  	s17 =	sadd.s32 $0x80, s10  }
0x1c: {  	s14 =	sadd.s32 $0x400, s11;
	s18 =	smov.u32 s11;
	p2 =	sgt.s32 s17, $0x3FF  }
0x1d: {  	s18 =	smov.u32 @p2 s14  }
0x1e: {  	s20 =	smov.u32 s12;
	s14 =	sadd.s32 $0x4, s12;
	p3 =	sgt.s32 s18, $0xFFF  }
0x1f: {  	s20 =	smov.u32 @p3 s14  }
0x20: {  	s17 =	simm.s32 @p2 $0x0;
	p2 =	sgt.s32 s20, $0x3  }
0x21: {  	p1 =	slt.u32 s13, $0x2;
	s20 =	smov.u32 @p2 s5;
	p2 =	sne.s32 s13, s8  }
.Ltmp1:
0x22: {  	s19 =	simm.s32 @!p1 $0x2;
	(pc) =	sbr.rel @!p2 .LBB1_6-.Ltmp1, $4  }
0x23: {  	s16 =	smov.u32 s10;
	s15 =	smov.u32 s12;
	_ =	swait.ge @!p1 [sflag:s19], $0x4000  }
0x24: {  	p0 =	por !p0, !p0;
	[sflag:s19] =	ssyncset.done @!p1 $0x0;
	s10 =	smov.u32 s17  }
0x25: {  	s18 =	smov.u32 @p3 s2;
	s14 =	smov.u32 s11;
	[sflag:s19] =	ssyncadd.s32 @!p1 $0xFFFFC000  }
0x26: {  	s11 =	smov.u32 s18;
	s13 =	sadd.s32 $0x1, s13;
	s12 =	smov.u32 s20  }
.LBB1_1:
0x27: {  	p1 =	sge.u32 s13, s7  }
0x28: {  	s31 =	sadd.s32 $0xFFFFFFFF, s13;
	s17 =	sshll.u32 @!p1 s11, $0x7  }
0x29: {  	s18 =	sxor.u32 @!p1 $0xFFFFFFFF, s13;
	s19 =	sand.u32 @!p1 $0x78, s10;
	s20 =	sand.u32 @!p1 $0x380, s17  }
0x2a: {  	s18 =	sshll.u32 @!p1 s18, $0xE;
	s19 =	sor.u32 @!p1 s19, s20;
	s20 =	sshll.u32 @!p1 s12, $0x13  }
0x2b: {  	s17 =	sand.u32 @!p1 $0x7FC00, s17;
	s19 =	sshrl.u32 @!p1 s19, $0x3;
	s20 =	sadd.s32 @!p1 s3, s20  }
0x2c: {  	s17 =	sadd.s32 @!p1 s10, s17;
	s19 =	sadd.s32 @!p1 s19, s20;
	s20 =	sand.u32 @!p1 $0x7, s10  }
0x2d: {  	s18 =	sand.u32 @!p1 $0x4000, s18;
	s17 =	sand.u32 @!p1 $0x7FF80, s17;
	s20 =	sshll.u32 @!p1 s20, $0x12  }
0x2e: {  	s17 =	sadd.s32 @!p1 s17, s19;
	s19 =	sor.u32 @!p1 $0x400, s20;
	s20 =	simm.s32 @!p1 $0x2000  }
0x2f: {  	[tilespmem:s18], [sflag:$0x1] =	stream.strided.gather @!p1 [hbm4b:s17+s19], $0x4000, s20, s19, $0x38;
	[tilespmem:$0x10100] =	vst v63  }
0x30: {  	p1 =	sge.u32 s31, s7  }
.Ltmp2:
0x31: {  	_ = 	snop;
	(pc) =	sbr.rel @p1 .LBB1_5-.Ltmp2, $1  }
0x32: {  	_ =	sdelay $0x3  }
0x33: {  	s17 =	simm.s32 $0x1  }
0x34: {  	_ =	swait.ge [sflag:s6], $0x4000;
	s17 =	simm.s32 @!p0 $0x0  }
0x35: {  	[sflag:s6] =	ssyncset.done $0x0;
	s18 =	sshll.u32 s17, $0xE  }
0x36: {  	[sflag:s6] =	ssyncadd.s32 $0xFFFFC000;
	s19 =	sor.u32 $0x40, s18  }
0x37: {  	s17 =	smul.u32 $0x10200, s17;
	v0 =	vld [tilespmem:s19+$0x30]  }
0x38: {  	v3 =	vld [tilespmem:s19+$0xFFFFFFD0]  }
0x39: {  	s17 =	sshrl.u32 s17, $0x2;
	v4 =	vld [tilespmem:s19+$0xFFFFFFE0]  }
0x3a: {  	v5 =	vld [tilespmem:s19+$0xFFFFFFF0];
	s18 =	sor.u32 $0x8000, s17  }
0x3b: {  	s31 =	sand.u32 $0x1, s13;
	v1 =	vld [tilespmem:s19+$0x0];
	s20 =	sadd.s32 $0x0, s18  }
0x3c: {  	v2 =	vld [tilespmem:s19+$0x10];
	s17 =	smul.u32 $0x10200, s31;
	[tilespmem:s20+$0x3870 ss:$0x81] =	vst.msk $0xffff, v0  }
0x3d: {  	[tilespmem:s20+$0x810 ss:$0x81] =	vst.msk $0xffff, v3;
	v3 =	vld [tilespmem:s19+$0x20]  }
0x3e: {  	s17 =	sshrl.u32 s17, $0x2;
	v0 =	vld [tilespmem:s19+$0xFFFFFFC0];
	[tilespmem:s20+$0x1020 ss:$0x81] =	vst.msk $0xffff, v4;
	s19 =	sadd.s32 $0x80, s19  }
0x3f: {  	s21 =	simm.s32 $0x4;
	s22 =	simm.s32 $0x8;
	s17 =	sor.u32 $0x8000, s17;
	[tilespmem:s20+$0x1830 ss:$0x81] =	vst.msk $0xffff, v5;
	v4 =	vld [tilespmem:s19+$0x30]  }
.LBB1_3:
0x40: {  	p1 =	sne.s32 s22, $0x1FC;
	v5 =	vld [tilespmem:s19+$0xFFFFFFD0];
	[tilespmem:s20+$0x2040 ss:$0x81] =	vst.msk $0xffff, v1  }
0x41: {  	v6 =	vld [tilespmem:s19+$0xFFFFFFE0];
	[tilespmem:s20+$0x2850 ss:$0x81] =	vst.msk $0xffff, v2  }
0x42: {  	s23 =	sshra.s32 s21, $0x2;
	s21 =	smov.u32 s22;
	v7 =	vld [tilespmem:s19+$0xFFFFFFF0];
	[tilespmem:s20+$0x3060 ss:$0x81] =	vst.msk $0xffff, v3  }
.Ltmp3:
0x43: {  	v1 =	vld [tilespmem:s19+$0x0];
	[tilespmem:s20+$0x0 ss:$0x81] =	vst.msk $0xffff, v0;
	s20 =	sadd.s32 s23, s18;
	(pc) =	sbr.rel @p1 .LBB1_3-.Ltmp3, $4  }
0x44: {  	v2 =	vld [tilespmem:s19+$0x10];
	[tilespmem:s20+$0x3870 ss:$0x81] =	vst.msk $0xffff, v4  }
0x45: {  	[tilespmem:s20+$0x810 ss:$0x81] =	vst.msk $0xffff, v5;
	v3 =	vld [tilespmem:s19+$0x20]  }
0x46: {  	v0 =	vld [tilespmem:s19+$0xFFFFFFC0];
	[tilespmem:s20+$0x1020 ss:$0x81] =	vst.msk $0xffff, v6;
	s19 =	sadd.s32 $0x80, s19  }
0x47: {  	s22 =	sadd.s32 $0x4, s22;
	v4 =	vld [tilespmem:s19+$0x30];
	[tilespmem:s20+$0x1830 ss:$0x81] =	vst.msk $0xffff, v7  }
.Ltmp4:
0x48: {  	_ = 	snop;
	(pc) =	sbr.rel .LBB1_4-.Ltmp4, $1  }
0x49: {  	_ =	sdelay $0x3  }
.LBB1_6:
0x4a: {  	_ =	sfence.sel $0x180000  }
0x4b: {  	s2 =	simm.s32 $0x1;
	[bflag:$0x0] =	sbarrier.arrive $0xFFFF  }
0x4c: {  	s31 =	simm.s32 $0x2;
	[sflag:s2] =	ssyncpa.u1 $0x1  }
0x4d: {  	[sflag:s31] =	ssyncpa.u1 $0x1  }
0x4e: {  	p0 =	sne.s32 s0, $0x0;
	_ =	strace $0x9000004A  }
0x4f: {  	s0 =	sadd.s32 @!p0 $0x100000, s1;
	[bflag:$0x2] =	sbarrier.arrive $0xFFFF  }
0x50: {  	[sflag:s0] =	ssyncadd.tile.s32 @!p0 $0x1;
	_ =	shalt  }
.Lfunc_end1:
_tile_overlayer_lowered:
.L_overlay_start_2:
0x51: {  	(tag) =	ssettag $0x2  }
0x52: {  	s0 =	rddreg [dreg:$0x0];
	s2 =	stileid.u32  }
0x53: {  	s1 =	rddreg [dreg:$0x1];
	p0 =	sne.s32 s2, $0x0  }
0x54: {  	s3 =	rddreg [dreg:$0x2];
	[bflag:$0x3] =	sbarrier.arrive $0xFFFF;
	s2 =	simm.s32 @!p0 $0x1C01  }
0x55: {  	[timem:s3], [sflag:s2] =	dma.local @!p0 [hbm:s0], s1  }
0x56: {  	s0 =	simm.s32 @!p0 $0x1  }
0x57: {  	_ =	swait.ge @!p0 [sflag:s0], s1  }
0x58: {  	s1 =	ssub.s32 @!p0 $0x0, s1;
	[sflag:s0] =	ssyncset.done @!p0 $0x0  }
0x59: {  	[sflag:s0] =	ssyncadd.s32 @!p0 s1  }
0x5a: {  	[bflag:$0x3] =	sbarrier.arrive $0xFFFF  }
0x5b: {  	_ =	shalt  }

</sc_bundles>
